<compile_context>
chip_gen: v7x
topology: tpu7x:2x2x1
jax: 0.10.2.dev20260603
libtpu: 0.0.44.dev20260713+nightly
codegen_flags: <defaults>
</compile_context>

<pallas_src>
import jax
import jax.numpy as jnp
from jax import lax
from jax.experimental import pallas as pl

_NB = 128
_S = 4
_R = 256


def _pwl_tables(W1, b1, W2, b2):
    a = W1[0]
    c = b1
    H = a.shape[0]
    iszero = a == 0
    bp = jnp.where(iszero, jnp.inf, -c / jnp.where(iszero, 1.0, a))
    sgn = jnp.where(iszero, 0.0, jnp.where(a > 0, 1.0, -1.0))
    dA = (sgn * a)[:, None] * W2
    dB = (sgn * c)[:, None] * W2
    neg = (a < 0).astype(jnp.float32)
    base_alpha = ((a * neg)[:, None] * W2).sum(0)
    base_beta = (
        b2
        + ((c * neg)[:, None] * W2).sum(0)
        + ((jnp.maximum(c, 0.0) * iszero)[:, None] * W2).sum(0)
    )
    order = jnp.argsort(bp)
    zero4 = jnp.zeros((1, _S), jnp.float32)
    alpha_t = base_alpha[None] + jnp.concatenate([zero4, jnp.cumsum(dA[order], 0)], 0)
    beta_t = base_beta[None] + jnp.concatenate([zero4, jnp.cumsum(dB[order], 0)], 0)
    bp_pad = jnp.full((1, _NB), jnp.inf, jnp.float32).at[0, :H].set(bp[order])
    coef = jnp.zeros((2 * _S, _NB), jnp.float32)
    coef = coef.at[:_S, : H + 1].set(alpha_t.T)
    coef = coef.at[_S:, : H + 1].set(beta_t.T)
    return bp_pad, coef


def _pwl_block(x_ref, bp_ref, coef_ref, o_ref):
    x = x_ref[...]
    bp = jnp.broadcast_to(bp_ref[...], (_R, _NB))

    b = [bp_ref[0, 16 * i + 15] for i in range(7)]
    c1 = b[3] < x
    bv2 = jnp.where(c1, b[5], b[1])
    c2 = bv2 < x
    bv3 = jnp.where(c1, jnp.where(c2, b[6], b[4]), jnp.where(c2, b[2], b[0]))
    c3 = bv3 < x
    pos = (
        jnp.where(c1, 64, 0) + jnp.where(c2, 32, 0) + jnp.where(c3, 16, 0)
    )
    for step in (8, 4, 2, 1):
        bv = jnp.take_along_axis(bp, pos + (step - 1), axis=1)
        pos = jnp.where(bv < x, pos + step, pos)

    planes = []
    for k in range(_S):
        ak = jnp.take_along_axis(
            jnp.broadcast_to(coef_ref[k : k + 1, :], (_R, _NB)), pos, axis=1
        )
        bk = jnp.take_along_axis(
            jnp.broadcast_to(coef_ref[k + _S : k + _S + 1, :], (_R, _NB)), pos, axis=1
        )
        planes.append(ak * x + bk)

    lane = lax.broadcasted_iota(jnp.int32, (_R, 128), 1)
    lm = lane % _S
    outs = []
    for q in range(_S):
        idx_q = lane // _S + 32 * q
        out_q = jnp.take_along_axis(planes[0], idx_q, axis=1)
        for k in range(1, _S):
            out_q = jnp.where(
                lm == k, jnp.take_along_axis(planes[k], idx_q, axis=1), out_q
            )
        outs.append(out_q)
    o_ref[...] = jnp.stack(outs, axis=1).reshape(_R * _S, 128)

def kernel(rx, phase, W1, b1, W2, b2):
    del phase
    N = rx.shape[0]
    M = N // 128
    bp_pad, coef = _pwl_tables(W1, b1, W2, b2)
    xm = rx.reshape(M, 128)
    out = pl.pallas_call(
        _pwl_block,
        grid=(M // _R,),
        in_specs=[
            pl.BlockSpec((_R, 128), lambda i: (i, 0)),
            pl.BlockSpec((1, _NB), lambda i: (0, 0)),
            pl.BlockSpec((2 * _S, _NB), lambda i: (0, 0)),
        ],
        out_specs=pl.BlockSpec((_R * _S, 128), lambda i: (i, 0)),
        out_shape=jax.ShapeDtypeStruct((M * _S, 128), jnp.float32),
    )(xm, bp_pad, coef)
    return out.reshape(N, _S)

# --- scband reference (transcript-rebuilt; emitter-appended) ---
"""Pipeline reference for scband-viterbi-net-detector-16028817949030 (READ-ONLY COPY).

The authoritative reference and input builder live on the scoring server;
editing this copy changes nothing except your own understanding.
"""

import jax, jax.numpy as jnp
import numpy as np

N = 4194304
HIDDEN1_SIZE = 75
N_STATES = 4


def setup_inputs(seed: int = 0) -> dict:
    key = jax.random.key(seed)
    k1, k2, k3, k4, k5 = jax.random.split(key, 5)
    rx = jax.random.normal(k1, (N, 1), dtype=jnp.float32)
    # Linear(1, HIDDEN1_SIZE): weight [1,75], bias [75] (stored transposed vs torch)
    W1 = jax.random.normal(k2, (1, HIDDEN1_SIZE), dtype=jnp.float32) * 1.0
    b1 = jax.random.normal(k3, (HIDDEN1_SIZE,), dtype=jnp.float32) * 0.1
    # Linear(HIDDEN1_SIZE, N_STATES): weight [75,4], bias [4]
    W2 = jax.random.normal(k4, (HIDDEN1_SIZE, N_STATES), dtype=jnp.float32) * (1.0 / np.sqrt(HIDDEN1_SIZE))
    b2 = jax.random.normal(k5, (N_STATES,), dtype=jnp.float32) * 0.1
    # phase = 0 encodes 'train' (the non-Viterbi-trellis branch): forward just returns the NN priors
    return {"rx": rx, "phase": 0, "W1": W1, "b1": b1, "W2": W2, "b2": b2}


def reference(rx, phase, W1, b1, W2, b2):
    # ViterbiNetDetector.forward with phase='train':
    #   priors = self.net(rx)  where net = Linear(1,75) -> ReLU -> Linear(75,n_states)
    #   return priors  (shape [N, n_states])
    h = jax.nn.relu(rx @ W1 + b1)
    priors = h @ W2 + b2
    return priors

if __name__ == "__main__":
    import jax
    _d = setup_inputs()
    print(jax.jit(kernel)(*tuple(_d.values())))

</pallas_src>

<mosaic_0001>
module attributes {stable_mosaic.version = 14 : i64} {
  func.func @_pwl_block(%arg0: i32, %arg1: memref<256x128xf32, #tpu.memory_space<vmem>>, %arg2: memref<1x128xf32, #tpu.memory_space<vmem>>, %arg3: memref<8x128xf32, #tpu.memory_space<vmem>>, %arg4: memref<1024x128xf32, #tpu.memory_space<vmem>>) attributes {dimension_semantics = [#tpu.dimension_semantics<arbitrary>], iteration_bounds = array<i64: 128>, scalar_prefetch = 0 : i64, scratch_operands = 0 : i64, tpu.core_type = #tpu.core_type<tc>, window_params = [{transform_indices = @transform_0, window_bounds = array<i64: 256, 128>}, {pipeline_mode = #tpu.pipeline_mode<synchronous>, transform_indices = @transform_1, window_bounds = array<i64: 1, 128>}, {pipeline_mode = #tpu.pipeline_mode<synchronous>, transform_indices = @transform_2, window_bounds = array<i64: 8, 128>}, {transform_indices = @transform_3, window_bounds = array<i64: 1024, 128>}]} {
    %get3A = arith.constant 0 : index
    %get3A_0 = arith.constant 0 : index
    %get3A_1 = vector.load %arg1[%get3A, %get3A_0] : memref<256x128xf32, #tpu.memory_space<vmem>>, vector<256x128xf32>
    %get3A_2 = arith.constant 0 : index
    %get3A_3 = arith.constant 0 : index
    %get3A_4 = vector.load %arg2[%get3A_2, %get3A_3] : memref<1x128xf32, #tpu.memory_space<vmem>>, vector<1x128xf32>
    %broadcast_in_dim3A = vector.shape_cast %get3A_4 : vector<1x128xf32> to vector<1x128xf32>
    %broadcast_in_dim3A_5 = vector.broadcast %broadcast_in_dim3A : vector<1x128xf32> to vector<256x128xf32>
    %get3A_6 = arith.constant 0 : index
    %get3A_7 = arith.constant 15 : index
    %get3A_8 = vector.load %arg2[%get3A_6, %get3A_7] : memref<1x128xf32, #tpu.memory_space<vmem>>, vector<1x1xf32>
    %get3A_9 = vector.extract %get3A_8[0, 0] : f32 from vector<1x1xf32>
    %get3A_10 = arith.constant 0 : index
    %get3A_11 = arith.constant 31 : index
    %get3A_12 = vector.load %arg2[%get3A_10, %get3A_11] : memref<1x128xf32, #tpu.memory_space<vmem>>, vector<1x1xf32>
    %get3A_13 = vector.extract %get3A_12[0, 0] : f32 from vector<1x1xf32>
    %get3A_14 = arith.constant 0 : index
    %get3A_15 = arith.constant 47 : index
    %get3A_16 = vector.load %arg2[%get3A_14, %get3A_15] : memref<1x128xf32, #tpu.memory_space<vmem>>, vector<1x1xf32>
    %get3A_17 = vector.extract %get3A_16[0, 0] : f32 from vector<1x1xf32>
    %get3A_18 = arith.constant 0 : index
    %get3A_19 = arith.constant 63 : index
    %get3A_20 = vector.load %arg2[%get3A_18, %get3A_19] : memref<1x128xf32, #tpu.memory_space<vmem>>, vector<1x1xf32>
    %get3A_21 = vector.extract %get3A_20[0, 0] : f32 from vector<1x1xf32>
    %get3A_22 = arith.constant 0 : index
    %get3A_23 = arith.constant 79 : index
    %get3A_24 = vector.load %arg2[%get3A_22, %get3A_23] : memref<1x128xf32, #tpu.memory_space<vmem>>, vector<1x1xf32>
    %get3A_25 = vector.extract %get3A_24[0, 0] : f32 from vector<1x1xf32>
    %get3A_26 = arith.constant 0 : index
    %get3A_27 = arith.constant 95 : index
    %get3A_28 = vector.load %arg2[%get3A_26, %get3A_27] : memref<1x128xf32, #tpu.memory_space<vmem>>, vector<1x1xf32>
    %get3A_29 = vector.extract %get3A_28[0, 0] : f32 from vector<1x1xf32>
    %get3A_30 = arith.constant 0 : index
    %get3A_31 = arith.constant 111 : index
    %get3A_32 = vector.load %arg2[%get3A_30, %get3A_31] : memref<1x128xf32, #tpu.memory_space<vmem>>, vector<1x1xf32>
    %get3A_33 = vector.extract %get3A_32[0, 0] : f32 from vector<1x1xf32>
    %lt3A = vector.broadcast %get3A_21 : f32 to vector<256x128xf32>
    %lt3A_34 = arith.cmpf olt, %lt3A, %get3A_1 : vector<256x128xf32>
    %broadcast_in_dim3A_35 = vector.broadcast %get3A_29 : f32 to vector<256x128xf32>
    %broadcast_in_dim3A_36 = vector.broadcast %get3A_13 : f32 to vector<256x128xf32>
    %select_n3A = arith.select %lt3A_34, %broadcast_in_dim3A_35, %broadcast_in_dim3A_36 : vector<256x128xi1>, vector<256x128xf32>
    %lt3A_37 = arith.cmpf olt, %select_n3A, %get3A_1 : vector<256x128xf32>
    %broadcast_in_dim3A_38 = vector.broadcast %get3A_33 : f32 to vector<256x128xf32>
    %broadcast_in_dim3A_39 = vector.broadcast %get3A_25 : f32 to vector<256x128xf32>
    %select_n3A_40 = arith.select %lt3A_37, %broadcast_in_dim3A_38, %broadcast_in_dim3A_39 : vector<256x128xi1>, vector<256x128xf32>
    %broadcast_in_dim3A_41 = vector.broadcast %get3A_17 : f32 to vector<256x128xf32>
    %broadcast_in_dim3A_42 = vector.broadcast %get3A_9 : f32 to vector<256x128xf32>
    %select_n3A_43 = arith.select %lt3A_37, %broadcast_in_dim3A_41, %broadcast_in_dim3A_42 : vector<256x128xi1>, vector<256x128xf32>
    %select_n3A_44 = arith.select %lt3A_34, %select_n3A_40, %select_n3A_43 : vector<256x128xi1>, vector<256x128xf32>
    %lt3A_45 = arith.cmpf olt, %select_n3A_44, %get3A_1 : vector<256x128xf32>
    %jit3A = arith.constant 64 : i32
    %jit3A_46 = arith.constant 0 : i32
    %broadcast_in_dim3A_47 = vector.broadcast %jit3A : i32 to vector<256x128xi32>
    %broadcast_in_dim3A_48 = vector.broadcast %jit3A_46 : i32 to vector<256x128xi32>
    %select_n3A_49 = arith.select %lt3A_34, %broadcast_in_dim3A_47, %broadcast_in_dim3A_48 : vector<256x128xi1>, vector<256x128xi32>
    %jit3A_50 = arith.constant 32 : i32
    %jit3A_51 = arith.constant 0 : i32
    %broadcast_in_dim3A_52 = vector.broadcast %jit3A_50 : i32 to vector<256x128xi32>
    %broadcast_in_dim3A_53 = vector.broadcast %jit3A_51 : i32 to vector<256x128xi32>
    %select_n3A_54 = arith.select %lt3A_37, %broadcast_in_dim3A_52, %broadcast_in_dim3A_53 : vector<256x128xi1>, vector<256x128xi32>
    %add3A = arith.addi %select_n3A_49, %select_n3A_54 : vector<256x128xi32>
    %jit3A_55 = arith.constant 16 : i32
    %jit3A_56 = arith.constant 0 : i32
    %broadcast_in_dim3A_57 = vector.broadcast %jit3A_55 : i32 to vector<256x128xi32>
    %broadcast_in_dim3A_58 = vector.broadcast %jit3A_56 : i32 to vector<256x128xi32>
    %select_n3A_59 = arith.select %lt3A_45, %broadcast_in_dim3A_57, %broadcast_in_dim3A_58 : vector<256x128xi1>, vector<256x128xi32>
    %add3A_60 = arith.addi %add3A, %select_n3A_59 : vector<256x128xi32>
    %add3A_61 = arith.constant 7 : i32
    %add3A_62 = vector.broadcast %add3A_61 : i32 to vector<256x128xi32>
    %add3A_63 = arith.addi %add3A_60, %add3A_62 : vector<256x128xi32>
    %lt3A_64 = arith.constant 0 : i32
    %lt3A_65 = vector.broadcast %lt3A_64 : i32 to vector<256x128xi32>
    %lt3A_66 = arith.cmpi slt, %add3A_63, %lt3A_65 : vector<256x128xi32>
    %add3A_67 = arith.constant 128 : i32
    %add3A_68 = vector.broadcast %add3A_67 : i32 to vector<256x128xi32>
    %add3A_69 = arith.addi %add3A_63, %add3A_68 : vector<256x128xi32>
    %select_n3A_70 = arith.select %lt3A_66, %add3A_69, %add3A_63 : vector<256x128xi1>, vector<256x128xi32>
    %reshape3A = vector.shape_cast %select_n3A_70 : vector<256x128xi32> to vector<256x128x1xi32>
    %gather3A = vector.shape_cast %reshape3A : vector<256x128x1xi32> to vector<256x128xi32>
    %gather3A_71 = tpu.dynamic_gather %broadcast_in_dim3A_5[%gather3A] in [1] : vector<256x128xf32>, vector<256x128xi32> -> vector<256x128xf32>
    %lt3A_72 = arith.cmpf olt, %gather3A_71, %get3A_1 : vector<256x128xf32>
    %add3A_73 = arith.constant 8 : i32
    %add3A_74 = vector.broadcast %add3A_73 : i32 to vector<256x128xi32>
    %add3A_75 = arith.addi %add3A_60, %add3A_74 : vector<256x128xi32>
    %select_n3A_76 = arith.select %lt3A_72, %add3A_75, %add3A_60 : vector<256x128xi1>, vector<256x128xi32>
    %add3A_77 = arith.constant 3 : i32
    %add3A_78 = vector.broadcast %add3A_77 : i32 to vector<256x128xi32>
    %add3A_79 = arith.addi %select_n3A_76, %add3A_78 : vector<256x128xi32>
    %lt3A_80 = arith.constant 0 : i32
    %lt3A_81 = vector.broadcast %lt3A_80 : i32 to vector<256x128xi32>
    %lt3A_82 = arith.cmpi slt, %add3A_79, %lt3A_81 : vector<256x128xi32>
    %add3A_83 = arith.constant 128 : i32
    %add3A_84 = vector.broadcast %add3A_83 : i32 to vector<256x128xi32>
    %add3A_85 = arith.addi %add3A_79, %add3A_84 : vector<256x128xi32>
    %select_n3A_86 = arith.select %lt3A_82, %add3A_85, %add3A_79 : vector<256x128xi1>, vector<256x128xi32>
    %reshape3A_87 = vector.shape_cast %select_n3A_86 : vector<256x128xi32> to vector<256x128x1xi32>
    %gather3A_88 = vector.shape_cast %reshape3A_87 : vector<256x128x1xi32> to vector<256x128xi32>
    %gather3A_89 = tpu.dynamic_gather %broadcast_in_dim3A_5[%gather3A_88] in [1] : vector<256x128xf32>, vector<256x128xi32> -> vector<256x128xf32>
    %lt3A_90 = arith.cmpf olt, %gather3A_89, %get3A_1 : vector<256x128xf32>
    %add3A_91 = arith.constant 4 : i32
    %add3A_92 = vector.broadcast %add3A_91 : i32 to vector<256x128xi32>
    %add3A_93 = arith.addi %select_n3A_76, %add3A_92 : vector<256x128xi32>
    %select_n3A_94 = arith.select %lt3A_90, %add3A_93, %select_n3A_76 : vector<256x128xi1>, vector<256x128xi32>
    %add3A_95 = arith.constant 1 : i32
    %add3A_96 = vector.broadcast %add3A_95 : i32 to vector<256x128xi32>
    %add3A_97 = arith.addi %select_n3A_94, %add3A_96 : vector<256x128xi32>
    %lt3A_98 = arith.constant 0 : i32
    %lt3A_99 = vector.broadcast %lt3A_98 : i32 to vector<256x128xi32>
    %lt3A_100 = arith.cmpi slt, %add3A_97, %lt3A_99 : vector<256x128xi32>
    %add3A_101 = arith.constant 128 : i32
    %add3A_102 = vector.broadcast %add3A_101 : i32 to vector<256x128xi32>
    %add3A_103 = arith.addi %add3A_97, %add3A_102 : vector<256x128xi32>
    %select_n3A_104 = arith.select %lt3A_100, %add3A_103, %add3A_97 : vector<256x128xi1>, vector<256x128xi32>
    %reshape3A_105 = vector.shape_cast %select_n3A_104 : vector<256x128xi32> to vector<256x128x1xi32>
    %gather3A_106 = vector.shape_cast %reshape3A_105 : vector<256x128x1xi32> to vector<256x128xi32>
    %gather3A_107 = tpu.dynamic_gather %broadcast_in_dim3A_5[%gather3A_106] in [1] : vector<256x128xf32>, vector<256x128xi32> -> vector<256x128xf32>
    %lt3A_108 = arith.cmpf olt, %gather3A_107, %get3A_1 : vector<256x128xf32>
    %add3A_109 = arith.constant 2 : i32
    %add3A_110 = vector.broadcast %add3A_109 : i32 to vector<256x128xi32>
    %add3A_111 = arith.addi %select_n3A_94, %add3A_110 : vector<256x128xi32>
    %select_n3A_112 = arith.select %lt3A_108, %add3A_111, %select_n3A_94 : vector<256x128xi1>, vector<256x128xi32>
    %add3A_113 = arith.constant 0 : i32
    %add3A_114 = vector.broadcast %add3A_113 : i32 to vector<256x128xi32>
    %add3A_115 = arith.addi %select_n3A_112, %add3A_114 : vector<256x128xi32>
    %lt3A_116 = arith.constant 0 : i32
    %lt3A_117 = vector.broadcast %lt3A_116 : i32 to vector<256x128xi32>
    %lt3A_118 = arith.cmpi slt, %add3A_115, %lt3A_117 : vector<256x128xi32>
    %add3A_119 = arith.constant 128 : i32
    %add3A_120 = vector.broadcast %add3A_119 : i32 to vector<256x128xi32>
    %add3A_121 = arith.addi %add3A_115, %add3A_120 : vector<256x128xi32>
    %select_n3A_122 = arith.select %lt3A_118, %add3A_121, %add3A_115 : vector<256x128xi1>, vector<256x128xi32>
    %reshape3A_123 = vector.shape_cast %select_n3A_122 : vector<256x128xi32> to vector<256x128x1xi32>
    %gather3A_124 = vector.shape_cast %reshape3A_123 : vector<256x128x1xi32> to vector<256x128xi32>
    %gather3A_125 = tpu.dynamic_gather %broadcast_in_dim3A_5[%gather3A_124] in [1] : vector<256x128xf32>, vector<256x128xi32> -> vector<256x128xf32>
    %lt3A_126 = arith.cmpf olt, %gather3A_125, %get3A_1 : vector<256x128xf32>
    %add3A_127 = arith.constant 1 : i32
    %add3A_128 = vector.broadcast %add3A_127 : i32 to vector<256x128xi32>
    %add3A_129 = arith.addi %select_n3A_112, %add3A_128 : vector<256x128xi32>
    %select_n3A_130 = arith.select %lt3A_126, %add3A_129, %select_n3A_112 : vector<256x128xi1>, vector<256x128xi32>
    %get3A_131 = arith.constant 0 : index
    %get3A_132 = arith.constant 0 : index
    %get3A_133 = vector.load %arg3[%get3A_131, %get3A_132] : memref<8x128xf32, #tpu.memory_space<vmem>>, vector<1x128xf32>
    %broadcast_in_dim3A_134 = vector.shape_cast %get3A_133 : vector<1x128xf32> to vector<1x128xf32>
    %broadcast_in_dim3A_135 = vector.broadcast %broadcast_in_dim3A_134 : vector<1x128xf32> to vector<256x128xf32>
    %lt3A_136 = arith.constant 0 : i32
    %lt3A_137 = vector.broadcast %lt3A_136 : i32 to vector<256x128xi32>
    %lt3A_138 = arith.cmpi slt, %select_n3A_130, %lt3A_137 : vector<256x128xi32>
    %add3A_139 = arith.constant 128 : i32
    %add3A_140 = vector.broadcast %add3A_139 : i32 to vector<256x128xi32>
    %add3A_141 = arith.addi %select_n3A_130, %add3A_140 : vector<256x128xi32>
    %select_n3A_142 = arith.select %lt3A_138, %add3A_141, %select_n3A_130 : vector<256x128xi1>, vector<256x128xi32>
    %reshape3A_143 = vector.shape_cast %select_n3A_142 : vector<256x128xi32> to vector<256x128x1xi32>
    %gather3A_144 = vector.shape_cast %reshape3A_143 : vector<256x128x1xi32> to vector<256x128xi32>
    %gather3A_145 = tpu.dynamic_gather %broadcast_in_dim3A_135[%gather3A_144] in [1] : vector<256x128xf32>, vector<256x128xi32> -> vector<256x128xf32>
    %get3A_146 = arith.constant 4 : index
    %get3A_147 = arith.constant 0 : index
    %get3A_148 = vector.load %arg3[%get3A_146, %get3A_147] : memref<8x128xf32, #tpu.memory_space<vmem>>, vector<1x128xf32>
    %broadcast_in_dim3A_149 = vector.shape_cast %get3A_148 : vector<1x128xf32> to vector<1x128xf32>
    %broadcast_in_dim3A_150 = vector.broadcast %broadcast_in_dim3A_149 : vector<1x128xf32> to vector<256x128xf32>
    %lt3A_151 = arith.constant 0 : i32
    %lt3A_152 = vector.broadcast %lt3A_151 : i32 to vector<256x128xi32>
    %lt3A_153 = arith.cmpi slt, %select_n3A_130, %lt3A_152 : vector<256x128xi32>
    %add3A_154 = arith.constant 128 : i32
    %add3A_155 = vector.broadcast %add3A_154 : i32 to vector<256x128xi32>
    %add3A_156 = arith.addi %select_n3A_130, %add3A_155 : vector<256x128xi32>
    %select_n3A_157 = arith.select %lt3A_153, %add3A_156, %select_n3A_130 : vector<256x128xi1>, vector<256x128xi32>
    %reshape3A_158 = vector.shape_cast %select_n3A_157 : vector<256x128xi32> to vector<256x128x1xi32>
    %gather3A_159 = vector.shape_cast %reshape3A_158 : vector<256x128x1xi32> to vector<256x128xi32>
    %gather3A_160 = tpu.dynamic_gather %broadcast_in_dim3A_150[%gather3A_159] in [1] : vector<256x128xf32>, vector<256x128xi32> -> vector<256x128xf32>
    %mul3A = arith.mulf %gather3A_145, %get3A_1 : vector<256x128xf32>
    %add3A_161 = arith.addf %mul3A, %gather3A_160 : vector<256x128xf32>
    %get3A_162 = arith.constant 1 : index
    %get3A_163 = arith.constant 0 : index
    %get3A_164 = vector.load %arg3[%get3A_162, %get3A_163] : memref<8x128xf32, #tpu.memory_space<vmem>>, vector<1x128xf32>
    %broadcast_in_dim3A_165 = vector.shape_cast %get3A_164 : vector<1x128xf32> to vector<1x128xf32>
    %broadcast_in_dim3A_166 = vector.broadcast %broadcast_in_dim3A_165 : vector<1x128xf32> to vector<256x128xf32>
    %lt3A_167 = arith.constant 0 : i32
    %lt3A_168 = vector.broadcast %lt3A_167 : i32 to vector<256x128xi32>
    %lt3A_169 = arith.cmpi slt, %select_n3A_130, %lt3A_168 : vector<256x128xi32>
    %add3A_170 = arith.constant 128 : i32
    %add3A_171 = vector.broadcast %add3A_170 : i32 to vector<256x128xi32>
    %add3A_172 = arith.addi %select_n3A_130, %add3A_171 : vector<256x128xi32>
    %select_n3A_173 = arith.select %lt3A_169, %add3A_172, %select_n3A_130 : vector<256x128xi1>, vector<256x128xi32>
    %reshape3A_174 = vector.shape_cast %select_n3A_173 : vector<256x128xi32> to vector<256x128x1xi32>
    %gather3A_175 = vector.shape_cast %reshape3A_174 : vector<256x128x1xi32> to vector<256x128xi32>
    %gather3A_176 = tpu.dynamic_gather %broadcast_in_dim3A_166[%gather3A_175] in [1] : vector<256x128xf32>, vector<256x128xi32> -> vector<256x128xf32>
    %get3A_177 = arith.constant 5 : index
    %get3A_178 = arith.constant 0 : index
    %get3A_179 = vector.load %arg3[%get3A_177, %get3A_178] : memref<8x128xf32, #tpu.memory_space<vmem>>, vector<1x128xf32>
    %broadcast_in_dim3A_180 = vector.shape_cast %get3A_179 : vector<1x128xf32> to vector<1x128xf32>
    %broadcast_in_dim3A_181 = vector.broadcast %broadcast_in_dim3A_180 : vector<1x128xf32> to vector<256x128xf32>
    %lt3A_182 = arith.constant 0 : i32
    %lt3A_183 = vector.broadcast %lt3A_182 : i32 to vector<256x128xi32>
    %lt3A_184 = arith.cmpi slt, %select_n3A_130, %lt3A_183 : vector<256x128xi32>
    %add3A_185 = arith.constant 128 : i32
    %add3A_186 = vector.broadcast %add3A_185 : i32 to vector<256x128xi32>
    %add3A_187 = arith.addi %select_n3A_130, %add3A_186 : vector<256x128xi32>
    %select_n3A_188 = arith.select %lt3A_184, %add3A_187, %select_n3A_130 : vector<256x128xi1>, vector<256x128xi32>
    %reshape3A_189 = vector.shape_cast %select_n3A_188 : vector<256x128xi32> to vector<256x128x1xi32>
    %gather3A_190 = vector.shape_cast %reshape3A_189 : vector<256x128x1xi32> to vector<256x128xi32>
    %gather3A_191 = tpu.dynamic_gather %broadcast_in_dim3A_181[%gather3A_190] in [1] : vector<256x128xf32>, vector<256x128xi32> -> vector<256x128xf32>
    %mul3A_192 = arith.mulf %gather3A_176, %get3A_1 : vector<256x128xf32>
    %add3A_193 = arith.addf %mul3A_192, %gather3A_191 : vector<256x128xf32>
    %get3A_194 = arith.constant 2 : index
    %get3A_195 = arith.constant 0 : index
    %get3A_196 = vector.load %arg3[%get3A_194, %get3A_195] : memref<8x128xf32, #tpu.memory_space<vmem>>, vector<1x128xf32>
    %broadcast_in_dim3A_197 = vector.shape_cast %get3A_196 : vector<1x128xf32> to vector<1x128xf32>
    %broadcast_in_dim3A_198 = vector.broadcast %broadcast_in_dim3A_197 : vector<1x128xf32> to vector<256x128xf32>
    %lt3A_199 = arith.constant 0 : i32
    %lt3A_200 = vector.broadcast %lt3A_199 : i32 to vector<256x128xi32>
    %lt3A_201 = arith.cmpi slt, %select_n3A_130, %lt3A_200 : vector<256x128xi32>
    %add3A_202 = arith.constant 128 : i32
    %add3A_203 = vector.broadcast %add3A_202 : i32 to vector<256x128xi32>
    %add3A_204 = arith.addi %select_n3A_130, %add3A_203 : vector<256x128xi32>
    %select_n3A_205 = arith.select %lt3A_201, %add3A_204, %select_n3A_130 : vector<256x128xi1>, vector<256x128xi32>
    %reshape3A_206 = vector.shape_cast %select_n3A_205 : vector<256x128xi32> to vector<256x128x1xi32>
    %gather3A_207 = vector.shape_cast %reshape3A_206 : vector<256x128x1xi32> to vector<256x128xi32>
    %gather3A_208 = tpu.dynamic_gather %broadcast_in_dim3A_198[%gather3A_207] in [1] : vector<256x128xf32>, vector<256x128xi32> -> vector<256x128xf32>
    %get3A_209 = arith.constant 6 : index
    %get3A_210 = arith.constant 0 : index
    %get3A_211 = vector.load %arg3[%get3A_209, %get3A_210] : memref<8x128xf32, #tpu.memory_space<vmem>>, vector<1x128xf32>
    %broadcast_in_dim3A_212 = vector.shape_cast %get3A_211 : vector<1x128xf32> to vector<1x128xf32>
    %broadcast_in_dim3A_213 = vector.broadcast %broadcast_in_dim3A_212 : vector<1x128xf32> to vector<256x128xf32>
    %lt3A_214 = arith.constant 0 : i32
    %lt3A_215 = vector.broadcast %lt3A_214 : i32 to vector<256x128xi32>
    %lt3A_216 = arith.cmpi slt, %select_n3A_130, %lt3A_215 : vector<256x128xi32>
    %add3A_217 = arith.constant 128 : i32
    %add3A_218 = vector.broadcast %add3A_217 : i32 to vector<256x128xi32>
    %add3A_219 = arith.addi %select_n3A_130, %add3A_218 : vector<256x128xi32>
    %select_n3A_220 = arith.select %lt3A_216, %add3A_219, %select_n3A_130 : vector<256x128xi1>, vector<256x128xi32>
    %reshape3A_221 = vector.shape_cast %select_n3A_220 : vector<256x128xi32> to vector<256x128x1xi32>
    %gather3A_222 = vector.shape_cast %reshape3A_221 : vector<256x128x1xi32> to vector<256x128xi32>
    %gather3A_223 = tpu.dynamic_gather %broadcast_in_dim3A_213[%gather3A_222] in [1] : vector<256x128xf32>, vector<256x128xi32> -> vector<256x128xf32>
    %mul3A_224 = arith.mulf %gather3A_208, %get3A_1 : vector<256x128xf32>
    %add3A_225 = arith.addf %mul3A_224, %gather3A_223 : vector<256x128xf32>
    %get3A_226 = arith.constant 3 : index
    %get3A_227 = arith.constant 0 : index
    %get3A_228 = vector.load %arg3[%get3A_226, %get3A_227] : memref<8x128xf32, #tpu.memory_space<vmem>>, vector<1x128xf32>
    %broadcast_in_dim3A_229 = vector.shape_cast %get3A_228 : vector<1x128xf32> to vector<1x128xf32>
    %broadcast_in_dim3A_230 = vector.broadcast %broadcast_in_dim3A_229 : vector<1x128xf32> to vector<256x128xf32>
    %lt3A_231 = arith.constant 0 : i32
    %lt3A_232 = vector.broadcast %lt3A_231 : i32 to vector<256x128xi32>
    %lt3A_233 = arith.cmpi slt, %select_n3A_130, %lt3A_232 : vector<256x128xi32>
    %add3A_234 = arith.constant 128 : i32
    %add3A_235 = vector.broadcast %add3A_234 : i32 to vector<256x128xi32>
    %add3A_236 = arith.addi %select_n3A_130, %add3A_235 : vector<256x128xi32>
    %select_n3A_237 = arith.select %lt3A_233, %add3A_236, %select_n3A_130 : vector<256x128xi1>, vector<256x128xi32>
    %reshape3A_238 = vector.shape_cast %select_n3A_237 : vector<256x128xi32> to vector<256x128x1xi32>
    %gather3A_239 = vector.shape_cast %reshape3A_238 : vector<256x128x1xi32> to vector<256x128xi32>
    %gather3A_240 = tpu.dynamic_gather %broadcast_in_dim3A_230[%gather3A_239] in [1] : vector<256x128xf32>, vector<256x128xi32> -> vector<256x128xf32>
    %get3A_241 = arith.constant 7 : index
    %get3A_242 = arith.constant 0 : index
    %get3A_243 = vector.load %arg3[%get3A_241, %get3A_242] : memref<8x128xf32, #tpu.memory_space<vmem>>, vector<1x128xf32>
    %broadcast_in_dim3A_244 = vector.shape_cast %get3A_243 : vector<1x128xf32> to vector<1x128xf32>
    %broadcast_in_dim3A_245 = vector.broadcast %broadcast_in_dim3A_244 : vector<1x128xf32> to vector<256x128xf32>
    %lt3A_246 = arith.constant 0 : i32
    %lt3A_247 = vector.broadcast %lt3A_246 : i32 to vector<256x128xi32>
    %lt3A_248 = arith.cmpi slt, %select_n3A_130, %lt3A_247 : vector<256x128xi32>
    %add3A_249 = arith.constant 128 : i32
    %add3A_250 = vector.broadcast %add3A_249 : i32 to vector<256x128xi32>
    %add3A_251 = arith.addi %select_n3A_130, %add3A_250 : vector<256x128xi32>
    %select_n3A_252 = arith.select %lt3A_248, %add3A_251, %select_n3A_130 : vector<256x128xi1>, vector<256x128xi32>
    %reshape3A_253 = vector.shape_cast %select_n3A_252 : vector<256x128xi32> to vector<256x128x1xi32>
    %gather3A_254 = vector.shape_cast %reshape3A_253 : vector<256x128x1xi32> to vector<256x128xi32>
    %gather3A_255 = tpu.dynamic_gather %broadcast_in_dim3A_245[%gather3A_254] in [1] : vector<256x128xf32>, vector<256x128xi32> -> vector<256x128xf32>
    %mul3A_256 = arith.mulf %gather3A_240, %get3A_1 : vector<256x128xf32>
    %add3A_257 = arith.addf %mul3A_256, %gather3A_255 : vector<256x128xf32>
    %iota3A = tpu.iota {dimensions = array<i32: 1>} : vector<256x128xi32>
    %jit3A_258 = arith.constant 4 : i32
    %eq3A = arith.constant 0 : i32
    %eq3A_259 = arith.cmpi eq, %jit3A_258, %eq3A : i32
    %jit3A_260 = arith.constant 1 : i32
    %select_n3A_261 = arith.select %eq3A_259, %jit3A_260, %jit3A_258 : i32
    %rem3A = vector.broadcast %select_n3A_261 : i32 to vector<256x128xi32>
    %rem3A_262 = arith.remsi %iota3A, %rem3A : vector<256x128xi32>
    %ne3A = arith.constant 0 : i32
    %ne3A_263 = vector.broadcast %ne3A : i32 to vector<256x128xi32>
    %ne3A_264 = arith.cmpi ne, %rem3A_262, %ne3A_263 : vector<256x128xi32>
    %lt3A_265 = arith.constant 0 : i32
    %lt3A_266 = vector.broadcast %lt3A_265 : i32 to vector<256x128xi32>
    %lt3A_267 = arith.cmpi slt, %rem3A_262, %lt3A_266 : vector<256x128xi32>
    %lt3A_268 = arith.constant 0 : i32
    %lt3A_269 = arith.cmpi slt, %select_n3A_261, %lt3A_268 : i32
    %ne3A_270 = vector.broadcast %lt3A_269 : i1 to vector<256x128xi1>
    %ne3A_271 = vector.broadcast %ne3A_270 : vector<256x128xi1> to vector<256x128xi1>
    %ne3A_272 = arith.xori %lt3A_267, %ne3A_271 : vector<256x128xi1>
    %and3A = arith.andi %ne3A_272, %ne3A_264 : vector<256x128xi1>
    %add3A_273 = vector.broadcast %select_n3A_261 : i32 to vector<256x128xi32>
    %add3A_274 = arith.addi %rem3A_262, %add3A_273 : vector<256x128xi32>
    %select_n3A_275 = arith.select %and3A, %add3A_274, %rem3A_262 : vector<256x128xi1>, vector<256x128xi32>
    %jit3A_276 = arith.constant 4 : i32
    %div3A = vector.broadcast %jit3A_276 : i32 to vector<256x128xi32>
    %div3A_277 = arith.divsi %iota3A, %div3A : vector<256x128xi32>
    %sign3A = arith.constant 0 : i32
    %sign3A_278 = vector.broadcast %sign3A : i32 to vector<256x128xi32>
    %sign3A_279 = arith.cmpi sgt, %iota3A, %sign3A_278 : vector<256x128xi32>
    %sign3A_280 = arith.extui %sign3A_279 : vector<256x128xi1> to vector<256x128xi32>
    %sign3A_281 = arith.constant 0 : i32
    %sign3A_282 = vector.broadcast %sign3A_281 : i32 to vector<256x128xi32>
    %sign3A_283 = arith.cmpi slt, %iota3A, %sign3A_282 : vector<256x128xi32>
    %sign3A_284 = arith.extui %sign3A_283 : vector<256x128xi1> to vector<256x128xi32>
    %sign3A_285 = arith.subi %sign3A_280, %sign3A_284 : vector<256x128xi32>
    %sign3A_286 = arith.constant 0 : i32
    %sign3A_287 = arith.cmpi sgt, %jit3A_276, %sign3A_286 : i32
    %sign3A_288 = arith.extui %sign3A_287 : i1 to i32
    %sign3A_289 = arith.constant 0 : i32
    %sign3A_290 = arith.cmpi slt, %jit3A_276, %sign3A_289 : i32
    %sign3A_291 = arith.extui %sign3A_290 : i1 to i32
    %sign3A_292 = arith.subi %sign3A_288, %sign3A_291 : i32
    %ne3A_293 = vector.broadcast %sign3A_292 : i32 to vector<256x128xi32>
    %ne3A_294 = arith.cmpi ne, %sign3A_285, %ne3A_293 : vector<256x128xi32>
    %rem3A_295 = vector.broadcast %jit3A_276 : i32 to vector<256x128xi32>
    %rem3A_296 = arith.remsi %iota3A, %rem3A_295 : vector<256x128xi32>
    %ne3A_297 = arith.constant 0 : i32
    %ne3A_298 = vector.broadcast %ne3A_297 : i32 to vector<256x128xi32>
    %ne3A_299 = arith.cmpi ne, %rem3A_296, %ne3A_298 : vector<256x128xi32>
    %and3A_300 = arith.andi %ne3A_294, %ne3A_299 : vector<256x128xi1>
    %sub3A = arith.constant 1 : i32
    %sub3A_301 = vector.broadcast %sub3A : i32 to vector<256x128xi32>
    %sub3A_302 = arith.subi %div3A_277, %sub3A_301 : vector<256x128xi32>
    %select_n3A_303 = arith.select %and3A_300, %sub3A_302, %div3A_277 : vector<256x128xi1>, vector<256x128xi32>
    %add3A_304 = arith.constant 0 : i32
    %add3A_305 = vector.broadcast %add3A_304 : i32 to vector<256x128xi32>
    %add3A_306 = arith.addi %select_n3A_303, %add3A_305 : vector<256x128xi32>
    %lt3A_307 = arith.constant 0 : i32
    %lt3A_308 = vector.broadcast %lt3A_307 : i32 to vector<256x128xi32>
    %lt3A_309 = arith.cmpi slt, %add3A_306, %lt3A_308 : vector<256x128xi32>
    %add3A_310 = arith.constant 128 : i32
    %add3A_311 = vector.broadcast %add3A_310 : i32 to vector<256x128xi32>
    %add3A_312 = arith.addi %add3A_306, %add3A_311 : vector<256x128xi32>
    %select_n3A_313 = arith.select %lt3A_309, %add3A_312, %add3A_306 : vector<256x128xi1>, vector<256x128xi32>
    %reshape3A_314 = vector.shape_cast %select_n3A_313 : vector<256x128xi32> to vector<256x128x1xi32>
    %gather3A_315 = vector.shape_cast %reshape3A_314 : vector<256x128x1xi32> to vector<256x128xi32>
    %gather3A_316 = tpu.dynamic_gather %add3A_161[%gather3A_315] in [1] : vector<256x128xf32>, vector<256x128xi32> -> vector<256x128xf32>
    %eq3A_317 = arith.constant 1 : i32
    %eq3A_318 = vector.broadcast %eq3A_317 : i32 to vector<256x128xi32>
    %eq3A_319 = arith.cmpi eq, %select_n3A_275, %eq3A_318 : vector<256x128xi32>
    %lt3A_320 = arith.constant 0 : i32
    %lt3A_321 = vector.broadcast %lt3A_320 : i32 to vector<256x128xi32>
    %lt3A_322 = arith.cmpi slt, %add3A_306, %lt3A_321 : vector<256x128xi32>
    %add3A_323 = arith.constant 128 : i32
    %add3A_324 = vector.broadcast %add3A_323 : i32 to vector<256x128xi32>
    %add3A_325 = arith.addi %add3A_306, %add3A_324 : vector<256x128xi32>
    %select_n3A_326 = arith.select %lt3A_322, %add3A_325, %add3A_306 : vector<256x128xi1>, vector<256x128xi32>
    %reshape3A_327 = vector.shape_cast %select_n3A_326 : vector<256x128xi32> to vector<256x128x1xi32>
    %gather3A_328 = vector.shape_cast %reshape3A_327 : vector<256x128x1xi32> to vector<256x128xi32>
    %gather3A_329 = tpu.dynamic_gather %add3A_193[%gather3A_328] in [1] : vector<256x128xf32>, vector<256x128xi32> -> vector<256x128xf32>
    %select_n3A_330 = arith.select %eq3A_319, %gather3A_329, %gather3A_316 : vector<256x128xi1>, vector<256x128xf32>
    %eq3A_331 = arith.constant 2 : i32
    %eq3A_332 = vector.broadcast %eq3A_331 : i32 to vector<256x128xi32>
    %eq3A_333 = arith.cmpi eq, %select_n3A_275, %eq3A_332 : vector<256x128xi32>
    %lt3A_334 = arith.constant 0 : i32
    %lt3A_335 = vector.broadcast %lt3A_334 : i32 to vector<256x128xi32>
    %lt3A_336 = arith.cmpi slt, %add3A_306, %lt3A_335 : vector<256x128xi32>
    %add3A_337 = arith.constant 128 : i32
    %add3A_338 = vector.broadcast %add3A_337 : i32 to vector<256x128xi32>
    %add3A_339 = arith.addi %add3A_306, %add3A_338 : vector<256x128xi32>
    %select_n3A_340 = arith.select %lt3A_336, %add3A_339, %add3A_306 : vector<256x128xi1>, vector<256x128xi32>
    %reshape3A_341 = vector.shape_cast %select_n3A_340 : vector<256x128xi32> to vector<256x128x1xi32>
    %gather3A_342 = vector.shape_cast %reshape3A_341 : vector<256x128x1xi32> to vector<256x128xi32>
    %gather3A_343 = tpu.dynamic_gather %add3A_225[%gather3A_342] in [1] : vector<256x128xf32>, vector<256x128xi32> -> vector<256x128xf32>
    %select_n3A_344 = arith.select %eq3A_333, %gather3A_343, %select_n3A_330 : vector<256x128xi1>, vector<256x128xf32>
    %eq3A_345 = arith.constant 3 : i32
    %eq3A_346 = vector.broadcast %eq3A_345 : i32 to vector<256x128xi32>
    %eq3A_347 = arith.cmpi eq, %select_n3A_275, %eq3A_346 : vector<256x128xi32>
    %lt3A_348 = arith.constant 0 : i32
    %lt3A_349 = vector.broadcast %lt3A_348 : i32 to vector<256x128xi32>
    %lt3A_350 = arith.cmpi slt, %add3A_306, %lt3A_349 : vector<256x128xi32>
    %add3A_351 = arith.constant 128 : i32
    %add3A_352 = vector.broadcast %add3A_351 : i32 to vector<256x128xi32>
    %add3A_353 = arith.addi %add3A_306, %add3A_352 : vector<256x128xi32>
    %select_n3A_354 = arith.select %lt3A_350, %add3A_353, %add3A_306 : vector<256x128xi1>, vector<256x128xi32>
    %reshape3A_355 = vector.shape_cast %select_n3A_354 : vector<256x128xi32> to vector<256x128x1xi32>
    %gather3A_356 = vector.shape_cast %reshape3A_355 : vector<256x128x1xi32> to vector<256x128xi32>
    %gather3A_357 = tpu.dynamic_gather %add3A_257[%gather3A_356] in [1] : vector<256x128xf32>, vector<256x128xi32> -> vector<256x128xf32>
    %select_n3A_358 = arith.select %eq3A_347, %gather3A_357, %select_n3A_344 : vector<256x128xi1>, vector<256x128xf32>
    %jit3A_359 = arith.constant 4 : i32
    %div3A_360 = vector.broadcast %jit3A_359 : i32 to vector<256x128xi32>
    %div3A_361 = arith.divsi %iota3A, %div3A_360 : vector<256x128xi32>
    %sign3A_362 = arith.constant 0 : i32
    %sign3A_363 = vector.broadcast %sign3A_362 : i32 to vector<256x128xi32>
    %sign3A_364 = arith.cmpi sgt, %iota3A, %sign3A_363 : vector<256x128xi32>
    %sign3A_365 = arith.extui %sign3A_364 : vector<256x128xi1> to vector<256x128xi32>
    %sign3A_366 = arith.constant 0 : i32
    %sign3A_367 = vector.broadcast %sign3A_366 : i32 to vector<256x128xi32>
    %sign3A_368 = arith.cmpi slt, %iota3A, %sign3A_367 : vector<256x128xi32>
    %sign3A_369 = arith.extui %sign3A_368 : vector<256x128xi1> to vector<256x128xi32>
    %sign3A_370 = arith.subi %sign3A_365, %sign3A_369 : vector<256x128xi32>
    %sign3A_371 = arith.constant 0 : i32
    %sign3A_372 = arith.cmpi sgt, %jit3A_359, %sign3A_371 : i32
    %sign3A_373 = arith.extui %sign3A_372 : i1 to i32
    %sign3A_374 = arith.constant 0 : i32
    %sign3A_375 = arith.cmpi slt, %jit3A_359, %sign3A_374 : i32
    %sign3A_376 = arith.extui %sign3A_375 : i1 to i32
    %sign3A_377 = arith.subi %sign3A_373, %sign3A_376 : i32
    %ne3A_378 = vector.broadcast %sign3A_377 : i32 to vector<256x128xi32>
    %ne3A_379 = arith.cmpi ne, %sign3A_370, %ne3A_378 : vector<256x128xi32>
    %rem3A_380 = vector.broadcast %jit3A_359 : i32 to vector<256x128xi32>
    %rem3A_381 = arith.remsi %iota3A, %rem3A_380 : vector<256x128xi32>
    %ne3A_382 = arith.constant 0 : i32
    %ne3A_383 = vector.broadcast %ne3A_382 : i32 to vector<256x128xi32>
    %ne3A_384 = arith.cmpi ne, %rem3A_381, %ne3A_383 : vector<256x128xi32>
    %and3A_385 = arith.andi %ne3A_379, %ne3A_384 : vector<256x128xi1>
    %sub3A_386 = arith.constant 1 : i32
    %sub3A_387 = vector.broadcast %sub3A_386 : i32 to vector<256x128xi32>
    %sub3A_388 = arith.subi %div3A_361, %sub3A_387 : vector<256x128xi32>
    %select_n3A_389 = arith.select %and3A_385, %sub3A_388, %div3A_361 : vector<256x128xi1>, vector<256x128xi32>
    %add3A_390 = arith.constant 32 : i32
    %add3A_391 = vector.broadcast %add3A_390 : i32 to vector<256x128xi32>
    %add3A_392 = arith.addi %select_n3A_389, %add3A_391 : vector<256x128xi32>
    %lt3A_393 = arith.constant 0 : i32
    %lt3A_394 = vector.broadcast %lt3A_393 : i32 to vector<256x128xi32>
    %lt3A_395 = arith.cmpi slt, %add3A_392, %lt3A_394 : vector<256x128xi32>
    %add3A_396 = arith.constant 128 : i32
    %add3A_397 = vector.broadcast %add3A_396 : i32 to vector<256x128xi32>
    %add3A_398 = arith.addi %add3A_392, %add3A_397 : vector<256x128xi32>
    %select_n3A_399 = arith.select %lt3A_395, %add3A_398, %add3A_392 : vector<256x128xi1>, vector<256x128xi32>
    %reshape3A_400 = vector.shape_cast %select_n3A_399 : vector<256x128xi32> to vector<256x128x1xi32>
    %gather3A_401 = vector.shape_cast %reshape3A_400 : vector<256x128x1xi32> to vector<256x128xi32>
    %gather3A_402 = tpu.dynamic_gather %add3A_161[%gather3A_401] in [1] : vector<256x128xf32>, vector<256x128xi32> -> vector<256x128xf32>
    %eq3A_403 = arith.constant 1 : i32
    %eq3A_404 = vector.broadcast %eq3A_403 : i32 to vector<256x128xi32>
    %eq3A_405 = arith.cmpi eq, %select_n3A_275, %eq3A_404 : vector<256x128xi32>
    %lt3A_406 = arith.constant 0 : i32
    %lt3A_407 = vector.broadcast %lt3A_406 : i32 to vector<256x128xi32>
    %lt3A_408 = arith.cmpi slt, %add3A_392, %lt3A_407 : vector<256x128xi32>
    %add3A_409 = arith.constant 128 : i32
    %add3A_410 = vector.broadcast %add3A_409 : i32 to vector<256x128xi32>
    %add3A_411 = arith.addi %add3A_392, %add3A_410 : vector<256x128xi32>
    %select_n3A_412 = arith.select %lt3A_408, %add3A_411, %add3A_392 : vector<256x128xi1>, vector<256x128xi32>
    %reshape3A_413 = vector.shape_cast %select_n3A_412 : vector<256x128xi32> to vector<256x128x1xi32>
    %gather3A_414 = vector.shape_cast %reshape3A_413 : vector<256x128x1xi32> to vector<256x128xi32>
    %gather3A_415 = tpu.dynamic_gather %add3A_193[%gather3A_414] in [1] : vector<256x128xf32>, vector<256x128xi32> -> vector<256x128xf32>
    %select_n3A_416 = arith.select %eq3A_405, %gather3A_415, %gather3A_402 : vector<256x128xi1>, vector<256x128xf32>
    %eq3A_417 = arith.constant 2 : i32
    %eq3A_418 = vector.broadcast %eq3A_417 : i32 to vector<256x128xi32>
    %eq3A_419 = arith.cmpi eq, %select_n3A_275, %eq3A_418 : vector<256x128xi32>
    %lt3A_420 = arith.constant 0 : i32
    %lt3A_421 = vector.broadcast %lt3A_420 : i32 to vector<256x128xi32>
    %lt3A_422 = arith.cmpi slt, %add3A_392, %lt3A_421 : vector<256x128xi32>
    %add3A_423 = arith.constant 128 : i32
    %add3A_424 = vector.broadcast %add3A_423 : i32 to vector<256x128xi32>
    %add3A_425 = arith.addi %add3A_392, %add3A_424 : vector<256x128xi32>
    %select_n3A_426 = arith.select %lt3A_422, %add3A_425, %add3A_392 : vector<256x128xi1>, vector<256x128xi32>
    %reshape3A_427 = vector.shape_cast %select_n3A_426 : vector<256x128xi32> to vector<256x128x1xi32>
    %gather3A_428 = vector.shape_cast %reshape3A_427 : vector<256x128x1xi32> to vector<256x128xi32>
    %gather3A_429 = tpu.dynamic_gather %add3A_225[%gather3A_428] in [1] : vector<256x128xf32>, vector<256x128xi32> -> vector<256x128xf32>
    %select_n3A_430 = arith.select %eq3A_419, %gather3A_429, %select_n3A_416 : vector<256x128xi1>, vector<256x128xf32>
    %eq3A_431 = arith.constant 3 : i32
    %eq3A_432 = vector.broadcast %eq3A_431 : i32 to vector<256x128xi32>
    %eq3A_433 = arith.cmpi eq, %select_n3A_275, %eq3A_432 : vector<256x128xi32>
    %lt3A_434 = arith.constant 0 : i32
    %lt3A_435 = vector.broadcast %lt3A_434 : i32 to vector<256x128xi32>
    %lt3A_436 = arith.cmpi slt, %add3A_392, %lt3A_435 : vector<256x128xi32>
    %add3A_437 = arith.constant 128 : i32
    %add3A_438 = vector.broadcast %add3A_437 : i32 to vector<256x128xi32>
    %add3A_439 = arith.addi %add3A_392, %add3A_438 : vector<256x128xi32>
    %select_n3A_440 = arith.select %lt3A_436, %add3A_439, %add3A_392 : vector<256x128xi1>, vector<256x128xi32>
    %reshape3A_441 = vector.shape_cast %select_n3A_440 : vector<256x128xi32> to vector<256x128x1xi32>
    %gather3A_442 = vector.shape_cast %reshape3A_441 : vector<256x128x1xi32> to vector<256x128xi32>
    %gather3A_443 = tpu.dynamic_gather %add3A_257[%gather3A_442] in [1] : vector<256x128xf32>, vector<256x128xi32> -> vector<256x128xf32>
    %select_n3A_444 = arith.select %eq3A_433, %gather3A_443, %select_n3A_430 : vector<256x128xi1>, vector<256x128xf32>
    %jit3A_445 = arith.constant 4 : i32
    %div3A_446 = vector.broadcast %jit3A_445 : i32 to vector<256x128xi32>
    %div3A_447 = arith.divsi %iota3A, %div3A_446 : vector<256x128xi32>
    %sign3A_448 = arith.constant 0 : i32
    %sign3A_449 = vector.broadcast %sign3A_448 : i32 to vector<256x128xi32>
    %sign3A_450 = arith.cmpi sgt, %iota3A, %sign3A_449 : vector<256x128xi32>
    %sign3A_451 = arith.extui %sign3A_450 : vector<256x128xi1> to vector<256x128xi32>
    %sign3A_452 = arith.constant 0 : i32
    %sign3A_453 = vector.broadcast %sign3A_452 : i32 to vector<256x128xi32>
    %sign3A_454 = arith.cmpi slt, %iota3A, %sign3A_453 : vector<256x128xi32>
    %sign3A_455 = arith.extui %sign3A_454 : vector<256x128xi1> to vector<256x128xi32>
    %sign3A_456 = arith.subi %sign3A_451, %sign3A_455 : vector<256x128xi32>
    %sign3A_457 = arith.constant 0 : i32
    %sign3A_458 = arith.cmpi sgt, %jit3A_445, %sign3A_457 : i32
    %sign3A_459 = arith.extui %sign3A_458 : i1 to i32
    %sign3A_460 = arith.constant 0 : i32
    %sign3A_461 = arith.cmpi slt, %jit3A_445, %sign3A_460 : i32
    %sign3A_462 = arith.extui %sign3A_461 : i1 to i32
    %sign3A_463 = arith.subi %sign3A_459, %sign3A_462 : i32
    %ne3A_464 = vector.broadcast %sign3A_463 : i32 to vector<256x128xi32>
    %ne3A_465 = arith.cmpi ne, %sign3A_456, %ne3A_464 : vector<256x128xi32>
    %rem3A_466 = vector.broadcast %jit3A_445 : i32 to vector<256x128xi32>
    %rem3A_467 = arith.remsi %iota3A, %rem3A_466 : vector<256x128xi32>
    %ne3A_468 = arith.constant 0 : i32
    %ne3A_469 = vector.broadcast %ne3A_468 : i32 to vector<256x128xi32>
    %ne3A_470 = arith.cmpi ne, %rem3A_467, %ne3A_469 : vector<256x128xi32>
    %and3A_471 = arith.andi %ne3A_465, %ne3A_470 : vector<256x128xi1>
    %sub3A_472 = arith.constant 1 : i32
    %sub3A_473 = vector.broadcast %sub3A_472 : i32 to vector<256x128xi32>
    %sub3A_474 = arith.subi %div3A_447, %sub3A_473 : vector<256x128xi32>
    %select_n3A_475 = arith.select %and3A_471, %sub3A_474, %div3A_447 : vector<256x128xi1>, vector<256x128xi32>
    %add3A_476 = arith.constant 64 : i32
    %add3A_477 = vector.broadcast %add3A_476 : i32 to vector<256x128xi32>
    %add3A_478 = arith.addi %select_n3A_475, %add3A_477 : vector<256x128xi32>
    %lt3A_479 = arith.constant 0 : i32
    %lt3A_480 = vector.broadcast %lt3A_479 : i32 to vector<256x128xi32>
    %lt3A_481 = arith.cmpi slt, %add3A_478, %lt3A_480 : vector<256x128xi32>
    %add3A_482 = arith.constant 128 : i32
    %add3A_483 = vector.broadcast %add3A_482 : i32 to vector<256x128xi32>
    %add3A_484 = arith.addi %add3A_478, %add3A_483 : vector<256x128xi32>
    %select_n3A_485 = arith.select %lt3A_481, %add3A_484, %add3A_478 : vector<256x128xi1>, vector<256x128xi32>
    %reshape3A_486 = vector.shape_cast %select_n3A_485 : vector<256x128xi32> to vector<256x128x1xi32>
    %gather3A_487 = vector.shape_cast %reshape3A_486 : vector<256x128x1xi32> to vector<256x128xi32>
    %gather3A_488 = tpu.dynamic_gather %add3A_161[%gather3A_487] in [1] : vector<256x128xf32>, vector<256x128xi32> -> vector<256x128xf32>
    %eq3A_489 = arith.constant 1 : i32
    %eq3A_490 = vector.broadcast %eq3A_489 : i32 to vector<256x128xi32>
    %eq3A_491 = arith.cmpi eq, %select_n3A_275, %eq3A_490 : vector<256x128xi32>
    %lt3A_492 = arith.constant 0 : i32
    %lt3A_493 = vector.broadcast %lt3A_492 : i32 to vector<256x128xi32>
    %lt3A_494 = arith.cmpi slt, %add3A_478, %lt3A_493 : vector<256x128xi32>
    %add3A_495 = arith.constant 128 : i32
    %add3A_496 = vector.broadcast %add3A_495 : i32 to vector<256x128xi32>
    %add3A_497 = arith.addi %add3A_478, %add3A_496 : vector<256x128xi32>
    %select_n3A_498 = arith.select %lt3A_494, %add3A_497, %add3A_478 : vector<256x128xi1>, vector<256x128xi32>
    %reshape3A_499 = vector.shape_cast %select_n3A_498 : vector<256x128xi32> to vector<256x128x1xi32>
    %gather3A_500 = vector.shape_cast %reshape3A_499 : vector<256x128x1xi32> to vector<256x128xi32>
    %gather3A_501 = tpu.dynamic_gather %add3A_193[%gather3A_500] in [1] : vector<256x128xf32>, vector<256x128xi32> -> vector<256x128xf32>
    %select_n3A_502 = arith.select %eq3A_491, %gather3A_501, %gather3A_488 : vector<256x128xi1>, vector<256x128xf32>
    %eq3A_503 = arith.constant 2 : i32
    %eq3A_504 = vector.broadcast %eq3A_503 : i32 to vector<256x128xi32>
    %eq3A_505 = arith.cmpi eq, %select_n3A_275, %eq3A_504 : vector<256x128xi32>
    %lt3A_506 = arith.constant 0 : i32
    %lt3A_507 = vector.broadcast %lt3A_506 : i32 to vector<256x128xi32>
    %lt3A_508 = arith.cmpi slt, %add3A_478, %lt3A_507 : vector<256x128xi32>
    %add3A_509 = arith.constant 128 : i32
    %add3A_510 = vector.broadcast %add3A_509 : i32 to vector<256x128xi32>
    %add3A_511 = arith.addi %add3A_478, %add3A_510 : vector<256x128xi32>
    %select_n3A_512 = arith.select %lt3A_508, %add3A_511, %add3A_478 : vector<256x128xi1>, vector<256x128xi32>
    %reshape3A_513 = vector.shape_cast %select_n3A_512 : vector<256x128xi32> to vector<256x128x1xi32>
    %gather3A_514 = vector.shape_cast %reshape3A_513 : vector<256x128x1xi32> to vector<256x128xi32>
    %gather3A_515 = tpu.dynamic_gather %add3A_225[%gather3A_514] in [1] : vector<256x128xf32>, vector<256x128xi32> -> vector<256x128xf32>
    %select_n3A_516 = arith.select %eq3A_505, %gather3A_515, %select_n3A_502 : vector<256x128xi1>, vector<256x128xf32>
    %eq3A_517 = arith.constant 3 : i32
    %eq3A_518 = vector.broadcast %eq3A_517 : i32 to vector<256x128xi32>
    %eq3A_519 = arith.cmpi eq, %select_n3A_275, %eq3A_518 : vector<256x128xi32>
    %lt3A_520 = arith.constant 0 : i32
    %lt3A_521 = vector.broadcast %lt3A_520 : i32 to vector<256x128xi32>
    %lt3A_522 = arith.cmpi slt, %add3A_478, %lt3A_521 : vector<256x128xi32>
    %add3A_523 = arith.constant 128 : i32
    %add3A_524 = vector.broadcast %add3A_523 : i32 to vector<256x128xi32>
    %add3A_525 = arith.addi %add3A_478, %add3A_524 : vector<256x128xi32>
    %select_n3A_526 = arith.select %lt3A_522, %add3A_525, %add3A_478 : vector<256x128xi1>, vector<256x128xi32>
    %reshape3A_527 = vector.shape_cast %select_n3A_526 : vector<256x128xi32> to vector<256x128x1xi32>
    %gather3A_528 = vector.shape_cast %reshape3A_527 : vector<256x128x1xi32> to vector<256x128xi32>
    %gather3A_529 = tpu.dynamic_gather %add3A_257[%gather3A_528] in [1] : vector<256x128xf32>, vector<256x128xi32> -> vector<256x128xf32>
    %select_n3A_530 = arith.select %eq3A_519, %gather3A_529, %select_n3A_516 : vector<256x128xi1>, vector<256x128xf32>
    %jit3A_531 = arith.constant 4 : i32
    %div3A_532 = vector.broadcast %jit3A_531 : i32 to vector<256x128xi32>
    %div3A_533 = arith.divsi %iota3A, %div3A_532 : vector<256x128xi32>
    %sign3A_534 = arith.constant 0 : i32
    %sign3A_535 = vector.broadcast %sign3A_534 : i32 to vector<256x128xi32>
    %sign3A_536 = arith.cmpi sgt, %iota3A, %sign3A_535 : vector<256x128xi32>
    %sign3A_537 = arith.extui %sign3A_536 : vector<256x128xi1> to vector<256x128xi32>
    %sign3A_538 = arith.constant 0 : i32
    %sign3A_539 = vector.broadcast %sign3A_538 : i32 to vector<256x128xi32>
    %sign3A_540 = arith.cmpi slt, %iota3A, %sign3A_539 : vector<256x128xi32>
    %sign3A_541 = arith.extui %sign3A_540 : vector<256x128xi1> to vector<256x128xi32>
    %sign3A_542 = arith.subi %sign3A_537, %sign3A_541 : vector<256x128xi32>
    %sign3A_543 = arith.constant 0 : i32
    %sign3A_544 = arith.cmpi sgt, %jit3A_531, %sign3A_543 : i32
    %sign3A_545 = arith.extui %sign3A_544 : i1 to i32
    %sign3A_546 = arith.constant 0 : i32
    %sign3A_547 = arith.cmpi slt, %jit3A_531, %sign3A_546 : i32
    %sign3A_548 = arith.extui %sign3A_547 : i1 to i32
    %sign3A_549 = arith.subi %sign3A_545, %sign3A_548 : i32
    %ne3A_550 = vector.broadcast %sign3A_549 : i32 to vector<256x128xi32>
    %ne3A_551 = arith.cmpi ne, %sign3A_542, %ne3A_550 : vector<256x128xi32>
    %rem3A_552 = vector.broadcast %jit3A_531 : i32 to vector<256x128xi32>
    %rem3A_553 = arith.remsi %iota3A, %rem3A_552 : vector<256x128xi32>
    %ne3A_554 = arith.constant 0 : i32
    %ne3A_555 = vector.broadcast %ne3A_554 : i32 to vector<256x128xi32>
    %ne3A_556 = arith.cmpi ne, %rem3A_553, %ne3A_555 : vector<256x128xi32>
    %and3A_557 = arith.andi %ne3A_551, %ne3A_556 : vector<256x128xi1>
    %sub3A_558 = arith.constant 1 : i32
    %sub3A_559 = vector.broadcast %sub3A_558 : i32 to vector<256x128xi32>
    %sub3A_560 = arith.subi %div3A_533, %sub3A_559 : vector<256x128xi32>
    %select_n3A_561 = arith.select %and3A_557, %sub3A_560, %div3A_533 : vector<256x128xi1>, vector<256x128xi32>
    %add3A_562 = arith.constant 96 : i32
    %add3A_563 = vector.broadcast %add3A_562 : i32 to vector<256x128xi32>
    %add3A_564 = arith.addi %select_n3A_561, %add3A_563 : vector<256x128xi32>
    %lt3A_565 = arith.constant 0 : i32
    %lt3A_566 = vector.broadcast %lt3A_565 : i32 to vector<256x128xi32>
    %lt3A_567 = arith.cmpi slt, %add3A_564, %lt3A_566 : vector<256x128xi32>
    %add3A_568 = arith.constant 128 : i32
    %add3A_569 = vector.broadcast %add3A_568 : i32 to vector<256x128xi32>
    %add3A_570 = arith.addi %add3A_564, %add3A_569 : vector<256x128xi32>
    %select_n3A_571 = arith.select %lt3A_567, %add3A_570, %add3A_564 : vector<256x128xi1>, vector<256x128xi32>
    %reshape3A_572 = vector.shape_cast %select_n3A_571 : vector<256x128xi32> to vector<256x128x1xi32>
    %gather3A_573 = vector.shape_cast %reshape3A_572 : vector<256x128x1xi32> to vector<256x128xi32>
    %gather3A_574 = tpu.dynamic_gather %add3A_161[%gather3A_573] in [1] : vector<256x128xf32>, vector<256x128xi32> -> vector<256x128xf32>
    %eq3A_575 = arith.constant 1 : i32
    %eq3A_576 = vector.broadcast %eq3A_575 : i32 to vector<256x128xi32>
    %eq3A_577 = arith.cmpi eq, %select_n3A_275, %eq3A_576 : vector<256x128xi32>
    %lt3A_578 = arith.constant 0 : i32
    %lt3A_579 = vector.broadcast %lt3A_578 : i32 to vector<256x128xi32>
    %lt3A_580 = arith.cmpi slt, %add3A_564, %lt3A_579 : vector<256x128xi32>
    %add3A_581 = arith.constant 128 : i32
    %add3A_582 = vector.broadcast %add3A_581 : i32 to vector<256x128xi32>
    %add3A_583 = arith.addi %add3A_564, %add3A_582 : vector<256x128xi32>
    %select_n3A_584 = arith.select %lt3A_580, %add3A_583, %add3A_564 : vector<256x128xi1>, vector<256x128xi32>
    %reshape3A_585 = vector.shape_cast %select_n3A_584 : vector<256x128xi32> to vector<256x128x1xi32>
    %gather3A_586 = vector.shape_cast %reshape3A_585 : vector<256x128x1xi32> to vector<256x128xi32>
    %gather3A_587 = tpu.dynamic_gather %add3A_193[%gather3A_586] in [1] : vector<256x128xf32>, vector<256x128xi32> -> vector<256x128xf32>
    %select_n3A_588 = arith.select %eq3A_577, %gather3A_587, %gather3A_574 : vector<256x128xi1>, vector<256x128xf32>
    %eq3A_589 = arith.constant 2 : i32
    %eq3A_590 = vector.broadcast %eq3A_589 : i32 to vector<256x128xi32>
    %eq3A_591 = arith.cmpi eq, %select_n3A_275, %eq3A_590 : vector<256x128xi32>
    %lt3A_592 = arith.constant 0 : i32
    %lt3A_593 = vector.broadcast %lt3A_592 : i32 to vector<256x128xi32>
    %lt3A_594 = arith.cmpi slt, %add3A_564, %lt3A_593 : vector<256x128xi32>
    %add3A_595 = arith.constant 128 : i32
    %add3A_596 = vector.broadcast %add3A_595 : i32 to vector<256x128xi32>
    %add3A_597 = arith.addi %add3A_564, %add3A_596 : vector<256x128xi32>
    %select_n3A_598 = arith.select %lt3A_594, %add3A_597, %add3A_564 : vector<256x128xi1>, vector<256x128xi32>
    %reshape3A_599 = vector.shape_cast %select_n3A_598 : vector<256x128xi32> to vector<256x128x1xi32>
    %gather3A_600 = vector.shape_cast %reshape3A_599 : vector<256x128x1xi32> to vector<256x128xi32>
    %gather3A_601 = tpu.dynamic_gather %add3A_225[%gather3A_600] in [1] : vector<256x128xf32>, vector<256x128xi32> -> vector<256x128xf32>
    %select_n3A_602 = arith.select %eq3A_591, %gather3A_601, %select_n3A_588 : vector<256x128xi1>, vector<256x128xf32>
    %eq3A_603 = arith.constant 3 : i32
    %eq3A_604 = vector.broadcast %eq3A_603 : i32 to vector<256x128xi32>
    %eq3A_605 = arith.cmpi eq, %select_n3A_275, %eq3A_604 : vector<256x128xi32>
    %lt3A_606 = arith.constant 0 : i32
    %lt3A_607 = vector.broadcast %lt3A_606 : i32 to vector<256x128xi32>
    %lt3A_608 = arith.cmpi slt, %add3A_564, %lt3A_607 : vector<256x128xi32>
    %add3A_609 = arith.constant 128 : i32
    %add3A_610 = vector.broadcast %add3A_609 : i32 to vector<256x128xi32>
    %add3A_611 = arith.addi %add3A_564, %add3A_610 : vector<256x128xi32>
    %select_n3A_612 = arith.select %lt3A_608, %add3A_611, %add3A_564 : vector<256x128xi1>, vector<256x128xi32>
    %reshape3A_613 = vector.shape_cast %select_n3A_612 : vector<256x128xi32> to vector<256x128x1xi32>
    %gather3A_614 = vector.shape_cast %reshape3A_613 : vector<256x128x1xi32> to vector<256x128xi32>
    %gather3A_615 = tpu.dynamic_gather %add3A_257[%gather3A_614] in [1] : vector<256x128xf32>, vector<256x128xi32> -> vector<256x128xf32>
    %select_n3A_616 = arith.select %eq3A_605, %gather3A_615, %select_n3A_602 : vector<256x128xi1>, vector<256x128xf32>
    %stack3A = vector.shape_cast %select_n3A_358 : vector<256x128xf32> to vector<256x1x128xf32>
    %stack3A_617 = vector.shape_cast %select_n3A_444 : vector<256x128xf32> to vector<256x1x128xf32>
    %stack3A_618 = vector.shape_cast %select_n3A_530 : vector<256x128xf32> to vector<256x1x128xf32>
    %stack3A_619 = vector.shape_cast %select_n3A_616 : vector<256x128xf32> to vector<256x1x128xf32>
    %stack3A_620 = tpu.concatenate %stack3A, %stack3A_617, %stack3A_618, %stack3A_619 in 1 : vector<256x1x128xf32>, vector<256x1x128xf32>, vector<256x1x128xf32>, vector<256x1x128xf32> -> vector<256x4x128xf32>
    %reshape3A_621 = vector.shape_cast %stack3A_620 : vector<256x4x128xf32> to vector<1024x128xf32>
    %swap3A = arith.constant 0 : index
    %swap3A_622 = arith.constant 0 : index
    %swap3A_623 = vector.load %arg4[%swap3A, %swap3A_622] : memref<1024x128xf32, #tpu.memory_space<vmem>>, vector<1024x128xf32>
    tpu.vector_store %arg4[%swap3A, %swap3A_622], %reshape3A_621 {strides = array<i32>} : memref<1024x128xf32, #tpu.memory_space<vmem>>, vector<1024x128xf32>,
    return
  }
  func.func @transform_0(%arg0: i32) -> (i32, i32) {
    %c0_i32 = arith.constant 0 : i32
    %c0_i32_0 = arith.constant 0 : i32
    return %arg0, %c0_i32 : i32, i32
  }
  func.func @transform_1(%arg0: i32) -> (i32, i32) {
    %c0_i32 = arith.constant 0 : i32
    %c0_i32_0 = arith.constant 0 : i32
    %c0_i32_1 = arith.constant 0 : i32
    return %c0_i32, %c0_i32_0 : i32, i32
  }
  func.func @transform_2(%arg0: i32) -> (i32, i32) {
    %c0_i32 = arith.constant 0 : i32
    %c0_i32_0 = arith.constant 0 : i32
    %c0_i32_1 = arith.constant 0 : i32
    return %c0_i32, %c0_i32_0 : i32, i32
  }
  func.func @transform_3(%arg0: i32) -> (i32, i32) {
    %c0_i32 = arith.constant 0 : i32
    %c0_i32_0 = arith.constant 0 : i32
    return %arg0, %c0_i32 : i32, i32
  }
}

</mosaic_0001>

<sc_bundles>
// kernel: sparse-core-data-format-call.cloned.1.call-start
scs
called_computation_lowered:
.L_overlay_start_0:
0x0: {  	s2 =	sld [smem:$0x3FD9]  }
0x1: {  	s3 =	sld [smem:$0x3FFE];
	_ =	sdelay $0x1  }
0x2: {  	s1 =	srdreg.scid  }
0x3: {  	s0 =	sand.u32 $0x1, s1  }
0x4: {  	s18 =	sshll.u32 s0, $0xA;
	s2 =	sadd.s32 s3, s2  }
0x5: {  	s2 =	sadd.s32 s2, s18  }
0x6: {  	[smem:$0x3FC3] =	sst s2  }
0x7: {  	_ = 	snop  }
0x8: {  	s2 =	sld [smem:$0x3FD0];
	(tm) =	ssettm $0x1  }
0x9: {  	s19 =	sld [smem:$0x3FFB];
	_ =	sdelay $0x3  }
0xa: {  	_ =	strace s19  }
0xb: {  	s3 =	sld [smem:$0x3FFC];
	_ =	sdelay $0x3  }
0xc: {  	_ =	strace s3  }
0xd: {  	s3 =	sld [smem:$0x3FFD];
	_ =	sdelay $0x3  }
0xe: {  	_ =	strace s3  }
0xf: {  	_ =	strace $0x8FFFFFFF  }
0x10: {  	s20 =	sld [smem:$0x3FDB];
	_ =	sdelay $0x1  }
0x11: {  	s4 =	simm.s32 $_scs_section_size  }
0x12: {  	s5 =	simm.s32 $_size__tile_overlayer_lowered;
	s6 =	simm.s32 $_tile_overlayer_lowered  }
0x13: {  	s23 =	simm.s32 $0x1BFF;
	s22 =	sshll.u32 s6, $0x1;
	s3 =	sadd.s32 s4, s20  }
0x14: {  	s7 =	simm.s32 $0x0;
	s21 =	sshll.u32 s5, $0x1;
	s5 =	sadd.s32 s22, s3  }
0x15: {  	[timem:s7], [sflag:s23] =	dma.local [hbm:s5], s21  }
0x16: {  	_ =	swait.ge [sflag:s23], s21  }
0x17: {  	s4 =	ssub.s32 $0x0, s21;
	[sflag:s23] =	ssyncset.done $0x0  }
0x18: {  	[sflag:s23] =	ssyncadd.s32 s4;
	_ =	sdelay $0x1  }
0x19: {  	s24 =	simm.s32 $0x1B8B  }
0x1a: {  	_ =	swait.ge [sflag:s24], $0x1  }
0x1b: {  	[sflag:s24] =	ssyncset.done $0x0  }
0x1c: {  	s26 =	simm.s32 $0x1B8E;
	s25 =	sld [smem:$0x3FFE];
	[sflag:s24] =	ssyncadd.s32 $0xFFFFFFFF  }
0x1d: {  	s27 =	simm.s32 $execute0_lowered;
	[smem:$0x3FD2] =	sst s26  }
0x1e: {  	s5 =	sshll.u32 s27, $0x1;
	_ =	strace $0x80000046;
	[dreg:$0x1] =	wrdreg $0xFFFFFFFF  }
0x1f: {  	s28 =	simm.s32 $_size_execute0_lowered;
	s3 =	sadd.s32 s3, s5;
	[dreg:$0x0] =	wrdreg $0x0  }
0x20: {  	s5 =	sshll.u32 s28, $0x1;
	[dreg:$0x2] =	wrdreg s3  }
0x21: {  	[dreg:$0x3] =	wrdreg s5  }
0x22: {  	[dreg:$0x4] =	wrdreg $0xC0  }
0x23: {  	_ =	task [dreg:s7], $0x5FFFF  }
0x24: {  	[dreg:$0x1] =	wrdreg $0xFFFFFFFF  }
0x25: {  	[dreg:$0x0] =	wrdreg $0x60  }
0x26: {  	[dreg:$0x2] =	wrdreg s25  }
0x27: {  	[dreg:$0x3] =	wrdreg s2  }
0x28: {  	[dreg:$0x4] =	wrdreg $0x9  }
0x29: {  	_ =	task.clear_ibuf [dreg:s7], $0x5FFFF;
	_ =	strace $0x90000046  }
0x2a: {  	s29 =	simm.s32 $0x9;
	_ =	strace $0x80000048  }
0x2b: {  	_ =	swait.ge [sflag:s29], $0x1  }
0x2c: {  	[sflag:s29] =	ssyncadd.s32 $0xFFFFFFFF  }
0x2d: {  	_ =	strace $0x90000048  }
0x2e: {  	_ =	sfence  }
0x2f: {  	s30 =	sld [smem:$0x0];
	_ =	sdelay $0x2  }
0x30: {  	s31 =	sshll.u32 s1, $0xD;
	s1 =	sshrl.u32 s1, $0x2  }
0x31: {  	s3 =	sand.u32 $0x4000, s31;
	s1 =	sadd.s32 s1, s30  }
0x32: {  	s0 =	sor.u32 s3, s0;
	s1 =	sshll.u32 s1, $0x11  }
0x33: {  	s0 =	sor.u32 s1, s0  }
0x34: {  	s0 =	sadd.s32 $0x8F2B, s0  }
0x35: {  	[sflag:s0] =	ssyncadd.remote.s32 $0x1  }
0x36: {  	_ =	sfence.sel $0xFFFF  }
0x37: {  	[dreg:$0x0] =	wrdreg $0xFFFFFFFF;
	(pc) =	sbr.abs _section_cstart, $3  }
0x38: {  	[dreg:$0x1] =	wrdreg $0xFFFFFFFF  }
0x39: {  	_ =	task.clear_ibuf [dreg:s7], $0x2FFFF;
	_ =	strace $0x9FFFFFFF  }
0x3a: {  	(tm) =	ssettm $0x7FFFFFFF  }
0x3b: {  	_ =	shalt  }
tec
execute0_lowered:
.L_overlay_start_1:
0x0: {  	(tag) =	ssettag $0x1  }
0x1: {  	s0 =	srdreg.scid  }
0x2: {  	s1 =	sshll.u32 s0, $0x4  }
0x3: {  	s2 =	rddreg [dreg:$0x0];
	s0 =	stileid.u32;
	s1 =	sand.u32 $0x10, s1  }
0x4: {  	s3 =	rddreg [dreg:$0x1];
	s5 =	simm.s32 $0x1;
	s1 =	sor.u32 s0, s1  }
0x5: {  	s8 =	simm.s32 $0x2;
	s12 =	simm.s32 $0x0;
	s4 =	sshll.u32 s1, $0x7  }
0x6: {  	s9 =	simm.s32 $0x0;
	s11 =	simm.s32 $0x0;
	s6 =	ssub.s32 $0x400000, s4  }
.Ltmp0:
0x7: {  	s1 =	rddreg [dreg:$0x2];
	s7 =	sand.u32 $0xF80, s6;
	(pc) =	sbr.rel .LBB1_1-.Ltmp0, $4  }
0x8: {  	_ =	strace $0x80000047;
	p0 =	sne.s32 s7, $0x0;
	s7 =	simm.s32 $0x1  }
0x9: {  	[sflag:s5] =	ssyncpa.u1 $0x0;
	s6 =	sshrl.u32 s6, $0xC;
	s7 =	simm.s32 @!p0 $0x0  }
0xa: {  	s10 =	smov.u32 s4;
	[sflag:s8] =	ssyncpa.u1 $0x0;
	s6 =	sadd.s32 s7, s6  }
0xb: {  	s8 =	simm.s32 $0x1000000;
	p0 =	por $0x0, $0x0;
	s7 =	sadd.s32 $0x1, s6  }
.LBB1_4:
0xc: {  	p1 =	sgt.s32 s9, $0x3FFF80;
	s15 =	smov.u32 s9;
	s16 =	sshra.s32 s9, $0x1F  }
0xd: {  	s15 =	simm.s32 @!p1 $0x3FFF80;
	s16 =	sand.u32 s16, s9  }
0xe: {  	s15 =	ssub.s32 s15, s16  }
0xf: {  	s28 =	sand.u32 $0x78, s9;
	s17 =	sshll.u32 s9, $0x2;
	s15 =	sadd.s32 $0xFFC00080, s15  }
0x10: {  	s17 =	sand.u32 $0xFFFE00, s17;
	p1 =	sgt.s32 s15, $0x7F;
	s15 =	sshll.u32 s15, $0x4  }
0x11: {  	s29 =	sand.u32 $0x7, s9;
	s16 =	sor.u32 s28, s17;
	s15 =	ssub.s32 $0x800, s15  }
0x12: {  	s17 =	sshll.u32 s29, $0x12;
	s16 =	sshrl.u32 s16, $0x3;
	s15 =	sshrl.u32 s15, $0x2  }
0x13: {  	[tilespmem:s14+$0x0 ss:$0x81] =	vst.msk $0xffff, v0;
	s31 =	sor.u32 $0x200, s17;
	s30 =	sadd.s32 s3, s16;
	s15 =	simm.s32 @p1 $0x0  }
0x14: {  	[hbm4b:s30+s31] =	stream.strided.scatter [tilespmem:s13], [sflag:$0x2], s15, s8, s31, $0x20;
	[tilespmem:$0x4040] =	vst v63  }
.LBB1_5:
0x15: {  	p1 =	slt.u32 s11, $0x2  }
0x16: {  	p2 =	sgt.s32 @!p1 s12, $0x3FFF80  }
0x17: {  	s13 =	smov.u32 s12;
	s14 =	sshra.s32 @!p1 s12, $0x1F;
	p2 =	por !p2, p1  }
0x18: {  	s12 =	sand.u32 @!p1 s14, s12;
	s13 =	simm.s32 @p2 $0x3FFF80  }
0x19: {  	s12 =	ssub.s32 @!p1 s13, s12  }
0x1a: {  	s12 =	sadd.s32 @!p1 $0xFFC00080, s12  }
0x1b: {  	s13 =	sshll.u32 @!p1 s12, $0x4  }
0x1c: {  	p2 =	sgt.s32 @!p1 s12, $0x7F;
	s12 =	ssub.s32 @!p1 $0x800, s13  }
0x1d: {  	s14 =	sadd.s32 $0x1000, s10;
	p2 =	por !p2, p1;
	s12 =	sshrl.u32 @!p1 s12, $0x2  }
0x1e: {  	s12 =	simm.s32 @!p2 $0x0;
	p2 =	sgt.s32 s14, $0x3FFFFF  }
0x1f: {  	s14 =	smov.u32 @p2 s4;
	p2 =	sne.s32 s11, s7  }
.Ltmp1:
0x20: {  	_ = 	snop;
	(pc) =	sbr.rel @!p2 .LBB1_6-.Ltmp1, $4  }
0x21: {  	s13 =	simm.s32 @!p1 $0x2  }
0x22: {  	p0 =	por !p0, !p0;
	_ =	swait.ge @!p1 [sflag:s13], s12;
	s15 =	ssub.s32 @!p1 $0x0, s12  }
0x23: {  	s12 =	smov.u32 s9;
	s11 =	sadd.s32 $0x1, s11;
	[sflag:s13] =	ssyncset.done @!p1 $0x0  }
0x24: {  	s9 =	smov.u32 s10;
	s10 =	smov.u32 s14;
	[sflag:s13] =	ssyncadd.s32 @!p1 s15  }
.LBB1_1:
0x25: {  	p1 =	sge.u32 s11, s6  }
0x26: {  	s31 =	sadd.s32 $0xFFFFFFFF, s11;
	s13 =	sxor.u32 @!p1 $0xFFFFFFFF, s11;
	s14 =	sshll.u32 @!p1 s10, $0x4  }
0x27: {  	s15 =	simm.s32 @!p1 $0x20;
	s13 =	sshll.u32 @!p1 s13, $0xC;
	s14 =	sand.u32 @!p1 $0x3FFFFF0, s14  }
0x28: {  	s16 =	simm.s32 @!p1 $0x80;
	s13 =	sand.u32 @!p1 $0x1000, s13;
	s14 =	sadd.s32 @!p1 s2, s14  }
0x29: {  	[tilespmem:s13], [sflag:$0x1] =	stream.strided.gather @!p1 [hbm4b:s14+s15], $0x1000, s16, s15, $0x38;
	[tilespmem:$0x4040] =	vst v63  }
0x2a: {  	p1 =	sge.u32 s31, s6  }
.Ltmp2:
0x2b: {  	_ = 	snop;
	(pc) =	sbr.rel @p1 .LBB1_5-.Ltmp2, $1  }
0x2c: {  	_ =	sdelay $0x3  }
0x2d: {  	s13 =	simm.s32 $0x1  }
0x2e: {  	_ =	swait.ge [sflag:s5], $0x1000;
	s13 =	simm.s32 @!p0 $0x0  }
0x2f: {  	[sflag:s5] =	ssyncset.done $0x0;
	s14 =	sshll.u32 s13, $0xC  }
0x30: {  	[sflag:s5] =	ssyncadd.s32 $0xFFFFF000;
	s17 =	sor.u32 $0x10, s14  }
0x31: {  	s13 =	smul.u32 $0x4080, s13;
	v1 =	vld [tilespmem:s17+$0x0]  }
0x32: {  	s30 =	sand.u32 $0x1, s11;
	v0 =	vld [tilespmem:s17+$0xFFFFFFF0]  }
0x33: {  	s14 =	smul.u32 $0x4080, s30;
	s13 =	sshrl.u32 s13, $0x2  }
0x34: {  	s15 =	sor.u32 $0x2000, s13  }
0x35: {  	s31 =	sshrl.u32 s14, $0x2;
	s14 =	sadd.s32 $0x0, s15  }
0x36: {  	s16 =	simm.s32 $0x4;
	s17 =	sadd.s32 $0x20, s17;
	s13 =	sor.u32 $0x2000, s31;
	[tilespmem:s14+$0x810 ss:$0x81] =	vst.msk $0xffff, v1  }
.LBB1_3:
0x37: {  	v1 =	vld [tilespmem:s17+$0x0];
	p1 =	sne.s32 s16, $0x1FC;
	[tilespmem:s14+$0x0 ss:$0x81] =	vst.msk $0xffff, v0;
	s14 =	smov.u32 s16;
	s16 =	sadd.s32 $0x4, s16  }
.Ltmp3:
0x38: {  	v0 =	vld [tilespmem:s17+$0xFFFFFFF0];
	(pc) =	sbr.rel @p1 .LBB1_3-.Ltmp3, $4  }
0x39: {  	_ = 	snop  }
0x3a: {  	s14 =	sshra.s32 s14, $0x2  }
0x3b: {  	s14 =	sadd.s32 s14, s15  }
0x3c: {  	s17 =	sadd.s32 $0x20, s17;
	[tilespmem:s14+$0x810 ss:$0x81] =	vst.msk $0xffff, v1  }
.Ltmp4:
0x3d: {  	_ = 	snop;
	(pc) =	sbr.rel .LBB1_4-.Ltmp4, $1  }
0x3e: {  	_ =	sdelay $0x3  }
.LBB1_6:
0x3f: {  	_ =	sfence.sel $0x180000  }
0x40: {  	s2 =	simm.s32 $0x1;
	[bflag:$0x0] =	sbarrier.arrive $0xFFFF  }
0x41: {  	s31 =	simm.s32 $0x2;
	[sflag:s2] =	ssyncpa.u1 $0x1  }
0x42: {  	[sflag:s31] =	ssyncpa.u1 $0x1  }
0x43: {  	p0 =	sne.s32 s0, $0x0;
	_ =	strace $0x90000047  }
0x44: {  	s0 =	sadd.s32 @!p0 $0x100000, s1;
	[bflag:$0x2] =	sbarrier.arrive $0xFFFF  }
0x45: {  	[sflag:s0] =	ssyncadd.tile.s32 @!p0 $0x1;
	_ =	shalt  }
.Lfunc_end1:
_tile_overlayer_lowered:
.L_overlay_start_2:
0x46: {  	(tag) =	ssettag $0x2  }
0x47: {  	s0 =	rddreg [dreg:$0x0];
	s2 =	stileid.u32  }
0x48: {  	s1 =	rddreg [dreg:$0x1];
	p0 =	sne.s32 s2, $0x0  }
0x49: {  	s3 =	rddreg [dreg:$0x2];
	[bflag:$0x3] =	sbarrier.arrive $0xFFFF;
	s2 =	simm.s32 @!p0 $0x1C01  }
0x4a: {  	[timem:s3], [sflag:s2] =	dma.local @!p0 [hbm:s0], s1  }
0x4b: {  	s0 =	simm.s32 @!p0 $0x1  }
0x4c: {  	_ =	swait.ge @!p0 [sflag:s0], s1  }
0x4d: {  	s1 =	ssub.s32 @!p0 $0x0, s1;
	[sflag:s0] =	ssyncset.done @!p0 $0x0  }
0x4e: {  	[sflag:s0] =	ssyncadd.s32 @!p0 s1  }
0x4f: {  	[bflag:$0x3] =	sbarrier.arrive $0xFFFF  }
0x50: {  	_ =	shalt  }

</sc_bundles>
